<compile_context>
chip_gen: v7x
topology: tpu7x:2x2x1
jax: 0.10.2.dev20260603
libtpu: 0.0.44.dev20260713+nightly
codegen_flags: <defaults>
</compile_context>

<pallas_src>
import functools

import jax
import jax.numpy as jnp
from jax import lax
from jax.experimental import pallas as pl
from jax.experimental.pallas import tpu as pltpu
from jax.experimental.pallas import tpu_sc as plsc

_N_LOCATIONS = 16384
_DIM = 64
_SIDE_BITS = 7
_MAX_DEPTH = 7
_BATCH = 4096
_N_LEAVES = 4 ** _MAX_DEPTH


def _query_index(loc):
    x = loc & (2 ** _SIDE_BITS - 1)
    y = loc >> _SIDE_BITS
    c7 = 2 * (y & 1) + (x & 1)
    q6 = jnp.zeros_like(loc)
    for u in range(1, _SIDE_BITS):
        q6 = q6 + ((2 * ((y >> u) & 1) + ((x >> u) & 1)) << (2 * (_SIDE_BITS - 1 - u)))
    return ((c7 >> 1) << 13) + 2 * q6 + (c7 & 1)


def _expand_kernel(loc_ref, table_ref, W_ref, b_ref, out_ref, idx_ref):
    idx_ref[:, :] = _query_index(loc_ref[:, :])
    s = table_ref[0:1, :]
    for d in range(_MAX_DEPTH - 1):
        y = jnp.dot(s, W_ref[d], preferred_element_type=jnp.float32)
        y = y + b_ref[d][None, :]
        s = jnp.concatenate(
            [y[:, _DIM * c:_DIM * (c + 1)] for c in range(4)], axis=0)
    y = jnp.dot(s, W_ref[_MAX_DEPTH - 1], preferred_element_type=jnp.float32)
    y = y + b_ref[_MAX_DEPTH - 1][None, :]
    half_rows = _N_LEAVES // 4
    out_ref[0:half_rows, :] = y[:, 0:2 * _DIM]
    out_ref[half_rows:2 * half_rows, :] = y[:, 2 * _DIM:4 * _DIM]


def _expand_states(location, table, W, b):
    return pl.pallas_call(
        _expand_kernel,
        out_shape=(
            jax.ShapeDtypeStruct((_N_LEAVES // 2, 2 * _DIM), jnp.float32),
            jax.ShapeDtypeStruct((_BATCH // 128, 128), jnp.int32),
        ),
    )(location.reshape(_BATCH // 128, 128), table, W, b)


_SC_INFO = plsc.get_sparse_core_info()
_NC = _SC_INFO.num_cores
_NW = _NC * _SC_INFO.num_subcores
_B_PER_W = _BATCH // _NW


@functools.partial(
    pl.kernel,
    mesh=plsc.VectorSubcoreMesh(core_axis_name="c", subcore_axis_name="s"),
    out_type=jax.ShapeDtypeStruct((_BATCH, _DIM), jnp.float32),
    scratch_types=[
        pltpu.VMEM((_B_PER_W,), jnp.int32),
        pltpu.VMEM((_B_PER_W, _DIM), jnp.float32),
        pltpu.SemaphoreType.DMA,
    ],
    compiler_params=pltpu.CompilerParams(use_tc_tiling_on_sc=False),
)
def _sc_gather(idx_hbm, leaf_hbm, out_hbm, idx_v, rows_v, sem):
    wid = lax.axis_index("s") * _NC + lax.axis_index("c")
    pltpu.sync_copy(idx_hbm.at[wid], idx_v)
    pltpu.async_copy(leaf_hbm.at[idx_v], rows_v, sem).wait()
    pltpu.sync_copy(rows_v, out_hbm.at[pl.ds(wid * _B_PER_W, _B_PER_W)])


def kernel(location, table, W, b):
    pairs, idx = _expand_states(location, table, W, b)
    leaf = pairs.reshape(_N_LEAVES, _DIM)
    return _sc_gather(idx, leaf)

# --- scband reference (transcript-rebuilt; emitter-appended) ---
"""Pipeline reference for scband-linear-hierarchical-location-encoding-component-83683142795684 (READ-ONLY COPY).

The authoritative reference and input builder live on the scoring server;
editing this copy changes nothing except your own understanding.
"""

import jax, jax.numpy as jnp
import numpy as np

N_LOCATIONS = 16384
DIM = 64
SIDE = 128          # int(sqrt(n_locations))
MAX_DEPTH = 7       # log2(SIDE); quadtree depth
N_SPECIALS = 3      # TrajectoryDataset.n_specials()
BATCH = 4096


def setup_inputs(seed: int = 0) -> dict:
    key = jax.random.key(seed)
    k0, k1, k2, k3 = jax.random.split(key, 4)
    # forward arg (int indices kept int32 for default-jax compatibility; values < n_locations)
    location = jax.random.randint(k0, (BATCH,), 0, N_LOCATIONS, dtype=jnp.int32)
    # learned params: nn.Embedding(1 + n_specials, dim) and max_depth Linears(dim -> 4*dim)
    table = jax.random.normal(k1, (1 + N_SPECIALS, DIM), dtype=jnp.float32)
    W = jax.random.normal(k2, (MAX_DEPTH, DIM, 4 * DIM), dtype=jnp.float32) * (1.0 / np.sqrt(DIM))
    b = jax.random.normal(k3, (MAX_DEPTH, 4 * DIM), dtype=jnp.float32) * 0.01
    return {"location": location, "table": table, "W": W, "b": b}


def _make_states(table, W, b):
    # make_embedding_matrix: root vector expanded level-by-level, each node -> 4 children.
    # Identical for every batch row in the original (temp_input rows are all equal),
    # so computing it once is mathematically identical to the per-batch replication.
    ith = table[0:1]                      # (1, dim) root state
    states = [ith]
    for d in range(MAX_DEPTH):
        ith = (ith @ W[d] + b[d]).reshape(-1, DIM)   # (4^{d+1}, dim)
        states.append(ith)
    states = jnp.concatenate(states, axis=0)          # ((4^{D+1}-1)/3, dim) = (21845, dim)
    states = jnp.concatenate([states, table[1:]], axis=0)  # + n_specials rows
    return states


def _leaf_hidden_index(location):
    # location -> grid cell -> Morton (Z-order) index among depth-MAX_DEPTH nodes.
    # Child ordering matches the reshape(B, -1, dim): node i's 4*dim output -> children 4i..4i+3.
    x = location % SIDE
    y = location // SIDE
    idx = jnp.zeros_like(location)
    for t in range(MAX_DEPTH):
        bx = (x >> (MAX_DEPTH - 1 - t)) & 1
        by = (y >> (MAX_DEPTH - 1 - t)) & 1
        idx = idx * 4 + 2 * by + bx
    offset = (4 ** MAX_DEPTH - 1) // 3   # rows occupied by depths 0..MAX_DEPTH-1
    return offset + idx


def reference(location, table, W, b):
    # forward(location, depth=-1): gather deepest-level (leaf) hidden states
    states = _make_states(table, W, b)
    idx = _leaf_hidden_index(location)
    return jnp.take(states, idx, axis=0)   # (BATCH, dim)

if __name__ == "__main__":
    import jax
    _d = setup_inputs()
    print(jax.jit(kernel)(*tuple(_d.values())))

</pallas_src>

<mosaic_0001>
#map = affine_map<(d0, d1) -> (0, 0)>
module attributes {stable_mosaic.version = 14 : i64} {
  func.func @_sc_gather(%arg0: i32, %arg1: i32, %arg2: memref<32x128xi32, #tpu.memory_space<hbm>>, %arg3: memref<16384x64xf32, #tpu.memory_space<hbm>>, %arg4: memref<4096x64xf32, #tpu.memory_space<hbm>>, %arg5: memref<128xi32, #tpu.memory_space<vmem>>, %arg6: memref<128x64xf32, #tpu.memory_space<vmem>>, %arg7: memref<!tpu.dma_semaphore, #tpu.memory_space<semaphore_mem>>) attributes {dimension_semantics = [#tpu.dimension_semantics<core_parallel>, #tpu.dimension_semantics<subcore_parallel>], iteration_bounds = array<i64: 2, 16>, scalar_prefetch = 0 : i64, scratch_operands = 3 : i64, tpu.core_type = #tpu.core_type<sc_vector_subcore>, window_params = [{transform_indices = #map}, {transform_indices = #map}, {transform_indices = #map}]} {
    %mul3A = arith.constant 2 : i32
    %mul3A_0 = arith.muli %arg1, %mul3A : i32
    %add3A = arith.addi %mul3A_0, %arg0 : i32
    "tpu.region"() ({
      %run_scoped3A = tpu.sem_alloc : memref<!tpu.dma_semaphore, #tpu.memory_space<semaphore_mem>>
      %dma_start3A_7 = arith.constant 0 : i32
      %dma_start3A_8 = tpu.memref_slice %arg2[%add3A, %dma_start3A_7] : memref<32x128xi32, #tpu.memory_space<hbm>> -> memref<1x128xi32, #tpu.memory_space<hbm>>
      %dma_start3A_9 = tpu.memref_squeeze %dma_start3A_8 : memref<1x128xi32, #tpu.memory_space<hbm>> -> memref<128xi32, #tpu.memory_space<hbm>>
      %dma_start3A_10 = arith.constant 0 : i32
      %dma_start3A_11 = tpu.memref_slice %arg2[%add3A, %dma_start3A_10] : memref<32x128xi32, #tpu.memory_space<hbm>> -> memref<1x128xi32, #tpu.memory_space<hbm>>
      %dma_start3A_12 = tpu.memref_squeeze %dma_start3A_11 : memref<1x128xi32, #tpu.memory_space<hbm>> -> memref<128xi32, #tpu.memory_space<hbm>>
      tpu.enqueue_dma source(%dma_start3A_12 : memref<128xi32, #tpu.memory_space<hbm>>) target(%arg5 : memref<128xi32, #tpu.memory_space<vmem>>) target_semaphore(%run_scoped3A : memref<!tpu.dma_semaphore, #tpu.memory_space<semaphore_mem>>)
      %dma_wait3A_13 = arith.constant 0 : i32
      %dma_wait3A_14 = tpu.memref_slice %arg2[%add3A, %dma_wait3A_13] : memref<32x128xi32, #tpu.memory_space<hbm>> -> memref<1x128xi32, #tpu.memory_space<hbm>>
      %dma_wait3A_15 = tpu.memref_squeeze %dma_wait3A_14 : memref<1x128xi32, #tpu.memory_space<hbm>> -> memref<128xi32, #tpu.memory_space<hbm>>
      %dma_wait3A_16 = arith.constant 0 : i32
      %dma_wait3A_17 = tpu.memref_slice %arg2[%add3A, %dma_wait3A_16] : memref<32x128xi32, #tpu.memory_space<hbm>> -> memref<1x128xi32, #tpu.memory_space<hbm>>
      %dma_wait3A_18 = tpu.memref_squeeze %dma_wait3A_17 : memref<1x128xi32, #tpu.memory_space<hbm>> -> memref<128xi32, #tpu.memory_space<hbm>>
      tpu.wait_dma2 semaphore(%run_scoped3A : memref<!tpu.dma_semaphore, #tpu.memory_space<semaphore_mem>>) src(%dma_wait3A_18 : memref<128xi32, #tpu.memory_space<hbm>>) dst(%arg5 : memref<128xi32, #tpu.memory_space<vmem>>)
      tpu.yield
    }) : () -> ()
    %dma_start3A = arith.constant 0 : i32
    %dma_start3A_1 = arith.constant 0 : i32
    %dma_start3A_2 = tpu.memref_slice %arg3[%dma_start3A, %dma_start3A_1] : memref<16384x64xf32, #tpu.memory_space<hbm>> -> memref<16384x64xf32, #tpu.memory_space<hbm>>
    tpu.enqueue_indirect_dma source(%dma_start3A_2 : memref<16384x64xf32, #tpu.memory_space<hbm>>) target(%arg6 : memref<128x64xf32, #tpu.memory_space<vmem>>) offsets(%arg5 : memref<128xi32, #tpu.memory_space<vmem>>) semaphore(%arg7 : memref<!tpu.dma_semaphore, #tpu.memory_space<semaphore_mem>>)
    %dma_wait3A = arith.constant 0 : i32
    %dma_wait3A_3 = arith.constant 0 : i32
    %dma_wait3A_4 = tpu.memref_slice %arg3[%dma_wait3A, %dma_wait3A_3] : memref<16384x64xf32, #tpu.memory_space<hbm>> -> memref<16384x64xf32, #tpu.memory_space<hbm>>
    tpu.wait_indirect_dma semaphore(%arg7 : memref<!tpu.dma_semaphore, #tpu.memory_space<semaphore_mem>>) src(%dma_wait3A_4 : memref<16384x64xf32, #tpu.memory_space<hbm>>) dst(%arg6 : memref<128x64xf32, #tpu.memory_space<vmem>>)
    %mul3A_5 = arith.constant 128 : i32
    %mul3A_6 = arith.muli %add3A, %mul3A_5 : i32
    "tpu.region"() ({
      %run_scoped3A = tpu.sem_alloc : memref<!tpu.dma_semaphore, #tpu.memory_space<semaphore_mem>>
      %dma_start3A_7 = arith.constant 0 : i32
      %dma_start3A_8 = tpu.memref_slice %arg4[%mul3A_6, %dma_start3A_7] : memref<4096x64xf32, #tpu.memory_space<hbm>> -> memref<128x64xf32, #tpu.memory_space<hbm>>
      %dma_start3A_9 = arith.constant 0 : i32
      %dma_start3A_10 = tpu.memref_slice %arg4[%mul3A_6, %dma_start3A_9] : memref<4096x64xf32, #tpu.memory_space<hbm>> -> memref<128x64xf32, #tpu.memory_space<hbm>>
      tpu.enqueue_dma source(%arg6 : memref<128x64xf32, #tpu.memory_space<vmem>>) target(%dma_start3A_10 : memref<128x64xf32, #tpu.memory_space<hbm>>) target_semaphore(%run_scoped3A : memref<!tpu.dma_semaphore, #tpu.memory_space<semaphore_mem>>)
      %dma_wait3A_11 = arith.constant 0 : i32
      %dma_wait3A_12 = tpu.memref_slice %arg4[%mul3A_6, %dma_wait3A_11] : memref<4096x64xf32, #tpu.memory_space<hbm>> -> memref<128x64xf32, #tpu.memory_space<hbm>>
      %dma_wait3A_13 = arith.constant 0 : i32
      %dma_wait3A_14 = tpu.memref_slice %arg4[%mul3A_6, %dma_wait3A_13] : memref<4096x64xf32, #tpu.memory_space<hbm>> -> memref<128x64xf32, #tpu.memory_space<hbm>>
      tpu.wait_dma2 semaphore(%run_scoped3A : memref<!tpu.dma_semaphore, #tpu.memory_space<semaphore_mem>>) src(%arg6 : memref<128x64xf32, #tpu.memory_space<vmem>>) dst(%dma_wait3A_14 : memref<128x64xf32, #tpu.memory_space<hbm>>)
      tpu.yield
    }) : () -> ()
    return
  }
}

module attributes {stable_mosaic.version = 14 : i64} {
  func.func @_expand_kernel(%arg0: memref<32x128xi32, #tpu.memory_space<vmem>>, %arg1: memref<4x64xf32, #tpu.memory_space<vmem>>, %arg2: memref<7x64x256xf32, #tpu.memory_space<vmem>>, %arg3: memref<7x256xf32, #tpu.memory_space<vmem>>, %arg4: memref<8192x128xf32, #tpu.memory_space<vmem>>, %arg5: memref<32x128xi32, #tpu.memory_space<vmem>>) attributes {dimension_semantics = [], scalar_prefetch = 0 : i64, scratch_operands = 0 : i64, tpu.core_type = #tpu.core_type<tc>} {
    %get3A = arith.constant 0 : index
    %get3A_0 = arith.constant 0 : index
    %get3A_1 = vector.load %arg0[%get3A, %get3A_0] : memref<32x128xi32, #tpu.memory_space<vmem>>, vector<32x128xi32>
    %and3A = arith.constant 127 : i32
    %and3A_2 = vector.broadcast %and3A : i32 to vector<32x128xi32>
    %and3A_3 = arith.andi %get3A_1, %and3A_2 : vector<32x128xi32>
    %shift_right_arithmetic3A = arith.constant 7 : i32
    %shift_right_arithmetic3A_4 = vector.broadcast %shift_right_arithmetic3A : i32 to vector<32x128xi32>
    %shift_right_arithmetic3A_5 = arith.shrsi %get3A_1, %shift_right_arithmetic3A_4 : vector<32x128xi32>
    %and3A_6 = arith.constant 1 : i32
    %and3A_7 = vector.broadcast %and3A_6 : i32 to vector<32x128xi32>
    %and3A_8 = arith.andi %shift_right_arithmetic3A_5, %and3A_7 : vector<32x128xi32>
    %mul3A = arith.constant 2 : i32
    %mul3A_9 = vector.broadcast %mul3A : i32 to vector<32x128xi32>
    %mul3A_10 = arith.muli %mul3A_9, %and3A_8 : vector<32x128xi32>
    %and3A_11 = arith.constant 1 : i32
    %and3A_12 = vector.broadcast %and3A_11 : i32 to vector<32x128xi32>
    %and3A_13 = arith.andi %and3A_3, %and3A_12 : vector<32x128xi32>
    %add3A = arith.addi %mul3A_10, %and3A_13 : vector<32x128xi32>
    %broadcast_in_dim3A = arith.constant 0 : i32
    %broadcast_in_dim3A_14 = vector.broadcast %broadcast_in_dim3A : i32 to vector<32x128xi32>
    %shift_right_arithmetic3A_15 = arith.constant 1 : i32
    %shift_right_arithmetic3A_16 = vector.broadcast %shift_right_arithmetic3A_15 : i32 to vector<32x128xi32>
    %shift_right_arithmetic3A_17 = arith.shrsi %shift_right_arithmetic3A_5, %shift_right_arithmetic3A_16 : vector<32x128xi32>
    %and3A_18 = arith.constant 1 : i32
    %and3A_19 = vector.broadcast %and3A_18 : i32 to vector<32x128xi32>
    %and3A_20 = arith.andi %shift_right_arithmetic3A_17, %and3A_19 : vector<32x128xi32>
    %mul3A_21 = arith.constant 2 : i32
    %mul3A_22 = vector.broadcast %mul3A_21 : i32 to vector<32x128xi32>
    %mul3A_23 = arith.muli %mul3A_22, %and3A_20 : vector<32x128xi32>
    %shift_right_arithmetic3A_24 = arith.constant 1 : i32
    %shift_right_arithmetic3A_25 = vector.broadcast %shift_right_arithmetic3A_24 : i32 to vector<32x128xi32>
    %shift_right_arithmetic3A_26 = arith.shrsi %and3A_3, %shift_right_arithmetic3A_25 : vector<32x128xi32>
    %and3A_27 = arith.constant 1 : i32
    %and3A_28 = vector.broadcast %and3A_27 : i32 to vector<32x128xi32>
    %and3A_29 = arith.andi %shift_right_arithmetic3A_26, %and3A_28 : vector<32x128xi32>
    %add3A_30 = arith.addi %mul3A_23, %and3A_29 : vector<32x128xi32>
    %shift_left3A = arith.constant 10 : i32
    %shift_left3A_31 = vector.broadcast %shift_left3A : i32 to vector<32x128xi32>
    %shift_left3A_32 = arith.shli %add3A_30, %shift_left3A_31 : vector<32x128xi32>
    %add3A_33 = arith.addi %broadcast_in_dim3A_14, %shift_left3A_32 : vector<32x128xi32>
    %shift_right_arithmetic3A_34 = arith.constant 2 : i32
    %shift_right_arithmetic3A_35 = vector.broadcast %shift_right_arithmetic3A_34 : i32 to vector<32x128xi32>
    %shift_right_arithmetic3A_36 = arith.shrsi %shift_right_arithmetic3A_5, %shift_right_arithmetic3A_35 : vector<32x128xi32>
    %and3A_37 = arith.constant 1 : i32
    %and3A_38 = vector.broadcast %and3A_37 : i32 to vector<32x128xi32>
    %and3A_39 = arith.andi %shift_right_arithmetic3A_36, %and3A_38 : vector<32x128xi32>
    %mul3A_40 = arith.constant 2 : i32
    %mul3A_41 = vector.broadcast %mul3A_40 : i32 to vector<32x128xi32>
    %mul3A_42 = arith.muli %mul3A_41, %and3A_39 : vector<32x128xi32>
    %shift_right_arithmetic3A_43 = arith.constant 2 : i32
    %shift_right_arithmetic3A_44 = vector.broadcast %shift_right_arithmetic3A_43 : i32 to vector<32x128xi32>
    %shift_right_arithmetic3A_45 = arith.shrsi %and3A_3, %shift_right_arithmetic3A_44 : vector<32x128xi32>
    %and3A_46 = arith.constant 1 : i32
    %and3A_47 = vector.broadcast %and3A_46 : i32 to vector<32x128xi32>
    %and3A_48 = arith.andi %shift_right_arithmetic3A_45, %and3A_47 : vector<32x128xi32>
    %add3A_49 = arith.addi %mul3A_42, %and3A_48 : vector<32x128xi32>
    %shift_left3A_50 = arith.constant 8 : i32
    %shift_left3A_51 = vector.broadcast %shift_left3A_50 : i32 to vector<32x128xi32>
    %shift_left3A_52 = arith.shli %add3A_49, %shift_left3A_51 : vector<32x128xi32>
    %add3A_53 = arith.addi %add3A_33, %shift_left3A_52 : vector<32x128xi32>
    %shift_right_arithmetic3A_54 = arith.constant 3 : i32
    %shift_right_arithmetic3A_55 = vector.broadcast %shift_right_arithmetic3A_54 : i32 to vector<32x128xi32>
    %shift_right_arithmetic3A_56 = arith.shrsi %shift_right_arithmetic3A_5, %shift_right_arithmetic3A_55 : vector<32x128xi32>
    %and3A_57 = arith.constant 1 : i32
    %and3A_58 = vector.broadcast %and3A_57 : i32 to vector<32x128xi32>
    %and3A_59 = arith.andi %shift_right_arithmetic3A_56, %and3A_58 : vector<32x128xi32>
    %mul3A_60 = arith.constant 2 : i32
    %mul3A_61 = vector.broadcast %mul3A_60 : i32 to vector<32x128xi32>
    %mul3A_62 = arith.muli %mul3A_61, %and3A_59 : vector<32x128xi32>
    %shift_right_arithmetic3A_63 = arith.constant 3 : i32
    %shift_right_arithmetic3A_64 = vector.broadcast %shift_right_arithmetic3A_63 : i32 to vector<32x128xi32>
    %shift_right_arithmetic3A_65 = arith.shrsi %and3A_3, %shift_right_arithmetic3A_64 : vector<32x128xi32>
    %and3A_66 = arith.constant 1 : i32
    %and3A_67 = vector.broadcast %and3A_66 : i32 to vector<32x128xi32>
    %and3A_68 = arith.andi %shift_right_arithmetic3A_65, %and3A_67 : vector<32x128xi32>
    %add3A_69 = arith.addi %mul3A_62, %and3A_68 : vector<32x128xi32>
    %shift_left3A_70 = arith.constant 6 : i32
    %shift_left3A_71 = vector.broadcast %shift_left3A_70 : i32 to vector<32x128xi32>
    %shift_left3A_72 = arith.shli %add3A_69, %shift_left3A_71 : vector<32x128xi32>
    %add3A_73 = arith.addi %add3A_53, %shift_left3A_72 : vector<32x128xi32>
    %shift_right_arithmetic3A_74 = arith.constant 4 : i32
    %shift_right_arithmetic3A_75 = vector.broadcast %shift_right_arithmetic3A_74 : i32 to vector<32x128xi32>
    %shift_right_arithmetic3A_76 = arith.shrsi %shift_right_arithmetic3A_5, %shift_right_arithmetic3A_75 : vector<32x128xi32>
    %and3A_77 = arith.constant 1 : i32
    %and3A_78 = vector.broadcast %and3A_77 : i32 to vector<32x128xi32>
    %and3A_79 = arith.andi %shift_right_arithmetic3A_76, %and3A_78 : vector<32x128xi32>
    %mul3A_80 = arith.constant 2 : i32
    %mul3A_81 = vector.broadcast %mul3A_80 : i32 to vector<32x128xi32>
    %mul3A_82 = arith.muli %mul3A_81, %and3A_79 : vector<32x128xi32>
    %shift_right_arithmetic3A_83 = arith.constant 4 : i32
    %shift_right_arithmetic3A_84 = vector.broadcast %shift_right_arithmetic3A_83 : i32 to vector<32x128xi32>
    %shift_right_arithmetic3A_85 = arith.shrsi %and3A_3, %shift_right_arithmetic3A_84 : vector<32x128xi32>
    %and3A_86 = arith.constant 1 : i32
    %and3A_87 = vector.broadcast %and3A_86 : i32 to vector<32x128xi32>
    %and3A_88 = arith.andi %shift_right_arithmetic3A_85, %and3A_87 : vector<32x128xi32>
    %add3A_89 = arith.addi %mul3A_82, %and3A_88 : vector<32x128xi32>
    %shift_left3A_90 = arith.constant 4 : i32
    %shift_left3A_91 = vector.broadcast %shift_left3A_90 : i32 to vector<32x128xi32>
    %shift_left3A_92 = arith.shli %add3A_89, %shift_left3A_91 : vector<32x128xi32>
    %add3A_93 = arith.addi %add3A_73, %shift_left3A_92 : vector<32x128xi32>
    %shift_right_arithmetic3A_94 = arith.constant 5 : i32
    %shift_right_arithmetic3A_95 = vector.broadcast %shift_right_arithmetic3A_94 : i32 to vector<32x128xi32>
    %shift_right_arithmetic3A_96 = arith.shrsi %shift_right_arithmetic3A_5, %shift_right_arithmetic3A_95 : vector<32x128xi32>
    %and3A_97 = arith.constant 1 : i32
    %and3A_98 = vector.broadcast %and3A_97 : i32 to vector<32x128xi32>
    %and3A_99 = arith.andi %shift_right_arithmetic3A_96, %and3A_98 : vector<32x128xi32>
    %mul3A_100 = arith.constant 2 : i32
    %mul3A_101 = vector.broadcast %mul3A_100 : i32 to vector<32x128xi32>
    %mul3A_102 = arith.muli %mul3A_101, %and3A_99 : vector<32x128xi32>
    %shift_right_arithmetic3A_103 = arith.constant 5 : i32
    %shift_right_arithmetic3A_104 = vector.broadcast %shift_right_arithmetic3A_103 : i32 to vector<32x128xi32>
    %shift_right_arithmetic3A_105 = arith.shrsi %and3A_3, %shift_right_arithmetic3A_104 : vector<32x128xi32>
    %and3A_106 = arith.constant 1 : i32
    %and3A_107 = vector.broadcast %and3A_106 : i32 to vector<32x128xi32>
    %and3A_108 = arith.andi %shift_right_arithmetic3A_105, %and3A_107 : vector<32x128xi32>
    %add3A_109 = arith.addi %mul3A_102, %and3A_108 : vector<32x128xi32>
    %shift_left3A_110 = arith.constant 2 : i32
    %shift_left3A_111 = vector.broadcast %shift_left3A_110 : i32 to vector<32x128xi32>
    %shift_left3A_112 = arith.shli %add3A_109, %shift_left3A_111 : vector<32x128xi32>
    %add3A_113 = arith.addi %add3A_93, %shift_left3A_112 : vector<32x128xi32>
    %shift_right_arithmetic3A_114 = arith.constant 6 : i32
    %shift_right_arithmetic3A_115 = vector.broadcast %shift_right_arithmetic3A_114 : i32 to vector<32x128xi32>
    %shift_right_arithmetic3A_116 = arith.shrsi %shift_right_arithmetic3A_5, %shift_right_arithmetic3A_115 : vector<32x128xi32>
    %and3A_117 = arith.constant 1 : i32
    %and3A_118 = vector.broadcast %and3A_117 : i32 to vector<32x128xi32>
    %and3A_119 = arith.andi %shift_right_arithmetic3A_116, %and3A_118 : vector<32x128xi32>
    %mul3A_120 = arith.constant 2 : i32
    %mul3A_121 = vector.broadcast %mul3A_120 : i32 to vector<32x128xi32>
    %mul3A_122 = arith.muli %mul3A_121, %and3A_119 : vector<32x128xi32>
    %shift_right_arithmetic3A_123 = arith.constant 6 : i32
    %shift_right_arithmetic3A_124 = vector.broadcast %shift_right_arithmetic3A_123 : i32 to vector<32x128xi32>
    %shift_right_arithmetic3A_125 = arith.shrsi %and3A_3, %shift_right_arithmetic3A_124 : vector<32x128xi32>
    %and3A_126 = arith.constant 1 : i32
    %and3A_127 = vector.broadcast %and3A_126 : i32 to vector<32x128xi32>
    %and3A_128 = arith.andi %shift_right_arithmetic3A_125, %and3A_127 : vector<32x128xi32>
    %add3A_129 = arith.addi %mul3A_122, %and3A_128 : vector<32x128xi32>
    %shift_left3A_130 = arith.constant 0 : i32
    %shift_left3A_131 = vector.broadcast %shift_left3A_130 : i32 to vector<32x128xi32>
    %shift_left3A_132 = arith.shli %add3A_129, %shift_left3A_131 : vector<32x128xi32>
    %add3A_133 = arith.addi %add3A_113, %shift_left3A_132 : vector<32x128xi32>
    %shift_right_arithmetic3A_134 = arith.constant 1 : i32
    %shift_right_arithmetic3A_135 = vector.broadcast %shift_right_arithmetic3A_134 : i32 to vector<32x128xi32>
    %shift_right_arithmetic3A_136 = arith.shrsi %add3A, %shift_right_arithmetic3A_135 : vector<32x128xi32>
    %shift_left3A_137 = arith.constant 13 : i32
    %shift_left3A_138 = vector.broadcast %shift_left3A_137 : i32 to vector<32x128xi32>
    %shift_left3A_139 = arith.shli %shift_right_arithmetic3A_136, %shift_left3A_138 : vector<32x128xi32>
    %mul3A_140 = arith.constant 2 : i32
    %mul3A_141 = vector.broadcast %mul3A_140 : i32 to vector<32x128xi32>
    %mul3A_142 = arith.muli %mul3A_141, %add3A_133 : vector<32x128xi32>
    %add3A_143 = arith.addi %shift_left3A_139, %mul3A_142 : vector<32x128xi32>
    %and3A_144 = arith.constant 1 : i32
    %and3A_145 = vector.broadcast %and3A_144 : i32 to vector<32x128xi32>
    %and3A_146 = arith.andi %add3A, %and3A_145 : vector<32x128xi32>
    %add3A_147 = arith.addi %add3A_143, %and3A_146 : vector<32x128xi32>
    %swap3A = arith.constant 0 : index
    %swap3A_148 = arith.constant 0 : index
    %swap3A_149 = vector.load %arg5[%swap3A, %swap3A_148] : memref<32x128xi32, #tpu.memory_space<vmem>>, vector<32x128xi32>
    tpu.vector_store %arg5[%swap3A, %swap3A_148], %add3A_147 {strides = array<i32>} : memref<32x128xi32, #tpu.memory_space<vmem>>, vector<32x128xi32>,
    %get3A_150 = arith.constant 0 : index
    %get3A_151 = arith.constant 0 : index
    %get3A_152 = vector.load %arg1[%get3A_150, %get3A_151] : memref<4x64xf32, #tpu.memory_space<vmem>>, vector<1x64xf32>
    %get3A_153 = arith.constant 0 : index
    %get3A_154 = arith.constant 0 : index
    %get3A_155 = arith.constant 0 : index
    %get3A_156 = vector.load %arg2[%get3A_153, %get3A_154, %get3A_155] : memref<7x64x256xf32, #tpu.memory_space<vmem>>, vector<1x64x256xf32>
    %get3A_157 = vector.shape_cast %get3A_156 : vector<1x64x256xf32> to vector<64x256xf32>
    %dot_general3A = arith.constant dense<0.000000e+00> : vector<1x256xf32>
    %dot_general3A_158 = tpu.matmul %get3A_152, %get3A_157, %dot_general3A {dimension_numbers = #tpu.dot_dimension_numbers<[1], [0], [0], [1], [0, 0, 1, 1], [], []>, transpose_lhs_hint = false} : vector<1x64xf32>, vector<64x256xf32>, vector<1x256xf32> -> vector<1x256xf32>
    %get3A_159 = arith.constant 0 : index
    %get3A_160 = arith.constant 0 : index
    %get3A_161 = vector.load %arg3[%get3A_159, %get3A_160] : memref<7x256xf32, #tpu.memory_space<vmem>>, vector<1x256xf32>
    %get3A_162 = vector.shape_cast %get3A_161 : vector<1x256xf32> to vector<256xf32>
    %broadcast_in_dim3A_163 = vector.shape_cast %get3A_162 : vector<256xf32> to vector<1x256xf32>
    %add3A_164 = arith.addf %dot_general3A_158, %broadcast_in_dim3A_163 : vector<1x256xf32>
    %slice3A = vector.extract_strided_slice %add3A_164 {offsets = [0, 0], sizes = [1, 64], strides = [1, 1]} : vector<1x256xf32> to vector<1x64xf32>
    %slice3A_165 = vector.extract_strided_slice %add3A_164 {offsets = [0, 64], sizes = [1, 64], strides = [1, 1]} : vector<1x256xf32> to vector<1x64xf32>
    %slice3A_166 = vector.extract_strided_slice %add3A_164 {offsets = [0, 128], sizes = [1, 64], strides = [1, 1]} : vector<1x256xf32> to vector<1x64xf32>
    %slice3A_167 = vector.extract_strided_slice %add3A_164 {offsets = [0, 192], sizes = [1, 64], strides = [1, 1]} : vector<1x256xf32> to vector<1x64xf32>
    %concatenate3A = tpu.concatenate %slice3A, %slice3A_165, %slice3A_166, %slice3A_167 in 0 : vector<1x64xf32>, vector<1x64xf32>, vector<1x64xf32>, vector<1x64xf32> -> vector<4x64xf32>
    %get3A_168 = arith.constant 1 : index
    %get3A_169 = arith.constant 0 : index
    %get3A_170 = arith.constant 0 : index
    %get3A_171 = vector.load %arg2[%get3A_168, %get3A_169, %get3A_170] : memref<7x64x256xf32, #tpu.memory_space<vmem>>, vector<1x64x256xf32>
    %get3A_172 = vector.shape_cast %get3A_171 : vector<1x64x256xf32> to vector<64x256xf32>
    %dot_general3A_173 = arith.constant dense<0.000000e+00> : vector<4x256xf32>
    %dot_general3A_174 = tpu.matmul %concatenate3A, %get3A_172, %dot_general3A_173 {dimension_numbers = #tpu.dot_dimension_numbers<[1], [0], [0], [1], [0, 0, 1, 1], [], []>, transpose_lhs_hint = false} : vector<4x64xf32>, vector<64x256xf32>, vector<4x256xf32> -> vector<4x256xf32>
    %get3A_175 = arith.constant 1 : index
    %get3A_176 = arith.constant 0 : index
    %get3A_177 = vector.load %arg3[%get3A_175, %get3A_176] : memref<7x256xf32, #tpu.memory_space<vmem>>, vector<1x256xf32>
    %get3A_178 = vector.shape_cast %get3A_177 : vector<1x256xf32> to vector<256xf32>
    %broadcast_in_dim3A_179 = vector.shape_cast %get3A_178 : vector<256xf32> to vector<1x256xf32>
    %add3A_180 = vector.broadcast %broadcast_in_dim3A_179 : vector<1x256xf32> to vector<4x256xf32>
    %add3A_181 = arith.addf %dot_general3A_174, %add3A_180 : vector<4x256xf32>
    %slice3A_182 = vector.extract_strided_slice %add3A_181 {offsets = [0, 0], sizes = [4, 64], strides = [1, 1]} : vector<4x256xf32> to vector<4x64xf32>
    %slice3A_183 = vector.extract_strided_slice %add3A_181 {offsets = [0, 64], sizes = [4, 64], strides = [1, 1]} : vector<4x256xf32> to vector<4x64xf32>
    %slice3A_184 = vector.extract_strided_slice %add3A_181 {offsets = [0, 128], sizes = [4, 64], strides = [1, 1]} : vector<4x256xf32> to vector<4x64xf32>
    %slice3A_185 = vector.extract_strided_slice %add3A_181 {offsets = [0, 192], sizes = [4, 64], strides = [1, 1]} : vector<4x256xf32> to vector<4x64xf32>
    %concatenate3A_186 = tpu.concatenate %slice3A_182, %slice3A_183, %slice3A_184, %slice3A_185 in 0 : vector<4x64xf32>, vector<4x64xf32>, vector<4x64xf32>, vector<4x64xf32> -> vector<16x64xf32>
    %get3A_187 = arith.constant 2 : index
    %get3A_188 = arith.constant 0 : index
    %get3A_189 = arith.constant 0 : index
    %get3A_190 = vector.load %arg2[%get3A_187, %get3A_188, %get3A_189] : memref<7x64x256xf32, #tpu.memory_space<vmem>>, vector<1x64x256xf32>
    %get3A_191 = vector.shape_cast %get3A_190 : vector<1x64x256xf32> to vector<64x256xf32>
    %dot_general3A_192 = arith.constant dense<0.000000e+00> : vector<16x256xf32>
    %dot_general3A_193 = tpu.matmul %concatenate3A_186, %get3A_191, %dot_general3A_192 {dimension_numbers = #tpu.dot_dimension_numbers<[1], [0], [0], [1], [0, 0, 1, 1], [], []>, transpose_lhs_hint = false} : vector<16x64xf32>, vector<64x256xf32>, vector<16x256xf32> -> vector<16x256xf32>
    %get3A_194 = arith.constant 2 : index
    %get3A_195 = arith.constant 0 : index
    %get3A_196 = vector.load %arg3[%get3A_194, %get3A_195] : memref<7x256xf32, #tpu.memory_space<vmem>>, vector<1x256xf32>
    %get3A_197 = vector.shape_cast %get3A_196 : vector<1x256xf32> to vector<256xf32>
    %broadcast_in_dim3A_198 = vector.shape_cast %get3A_197 : vector<256xf32> to vector<1x256xf32>
    %add3A_199 = vector.broadcast %broadcast_in_dim3A_198 : vector<1x256xf32> to vector<16x256xf32>
    %add3A_200 = arith.addf %dot_general3A_193, %add3A_199 : vector<16x256xf32>
    %slice3A_201 = vector.extract_strided_slice %add3A_200 {offsets = [0, 0], sizes = [16, 64], strides = [1, 1]} : vector<16x256xf32> to vector<16x64xf32>
    %slice3A_202 = vector.extract_strided_slice %add3A_200 {offsets = [0, 64], sizes = [16, 64], strides = [1, 1]} : vector<16x256xf32> to vector<16x64xf32>
    %slice3A_203 = vector.extract_strided_slice %add3A_200 {offsets = [0, 128], sizes = [16, 64], strides = [1, 1]} : vector<16x256xf32> to vector<16x64xf32>
    %slice3A_204 = vector.extract_strided_slice %add3A_200 {offsets = [0, 192], sizes = [16, 64], strides = [1, 1]} : vector<16x256xf32> to vector<16x64xf32>
    %concatenate3A_205 = tpu.concatenate %slice3A_201, %slice3A_202, %slice3A_203, %slice3A_204 in 0 : vector<16x64xf32>, vector<16x64xf32>, vector<16x64xf32>, vector<16x64xf32> -> vector<64x64xf32>
    %get3A_206 = arith.constant 3 : index
    %get3A_207 = arith.constant 0 : index
    %get3A_208 = arith.constant 0 : index
    %get3A_209 = vector.load %arg2[%get3A_206, %get3A_207, %get3A_208] : memref<7x64x256xf32, #tpu.memory_space<vmem>>, vector<1x64x256xf32>
    %get3A_210 = vector.shape_cast %get3A_209 : vector<1x64x256xf32> to vector<64x256xf32>
    %dot_general3A_211 = arith.constant dense<0.000000e+00> : vector<64x256xf32>
    %dot_general3A_212 = tpu.matmul %concatenate3A_205, %get3A_210, %dot_general3A_211 {dimension_numbers = #tpu.dot_dimension_numbers<[1], [0], [0], [1], [0, 0, 1, 1], [], []>, transpose_lhs_hint = false} : vector<64x64xf32>, vector<64x256xf32>, vector<64x256xf32> -> vector<64x256xf32>
    %get3A_213 = arith.constant 3 : index
    %get3A_214 = arith.constant 0 : index
    %get3A_215 = vector.load %arg3[%get3A_213, %get3A_214] : memref<7x256xf32, #tpu.memory_space<vmem>>, vector<1x256xf32>
    %get3A_216 = vector.shape_cast %get3A_215 : vector<1x256xf32> to vector<256xf32>
    %broadcast_in_dim3A_217 = vector.shape_cast %get3A_216 : vector<256xf32> to vector<1x256xf32>
    %add3A_218 = vector.broadcast %broadcast_in_dim3A_217 : vector<1x256xf32> to vector<64x256xf32>
    %add3A_219 = arith.addf %dot_general3A_212, %add3A_218 : vector<64x256xf32>
    %slice3A_220 = vector.extract_strided_slice %add3A_219 {offsets = [0, 0], sizes = [64, 64], strides = [1, 1]} : vector<64x256xf32> to vector<64x64xf32>
    %slice3A_221 = vector.extract_strided_slice %add3A_219 {offsets = [0, 64], sizes = [64, 64], strides = [1, 1]} : vector<64x256xf32> to vector<64x64xf32>
    %slice3A_222 = vector.extract_strided_slice %add3A_219 {offsets = [0, 128], sizes = [64, 64], strides = [1, 1]} : vector<64x256xf32> to vector<64x64xf32>
    %slice3A_223 = vector.extract_strided_slice %add3A_219 {offsets = [0, 192], sizes = [64, 64], strides = [1, 1]} : vector<64x256xf32> to vector<64x64xf32>
    %concatenate3A_224 = tpu.concatenate %slice3A_220, %slice3A_221, %slice3A_222, %slice3A_223 in 0 : vector<64x64xf32>, vector<64x64xf32>, vector<64x64xf32>, vector<64x64xf32> -> vector<256x64xf32>
    %get3A_225 = arith.constant 4 : index
    %get3A_226 = arith.constant 0 : index
    %get3A_227 = arith.constant 0 : index
    %get3A_228 = vector.load %arg2[%get3A_225, %get3A_226, %get3A_227] : memref<7x64x256xf32, #tpu.memory_space<vmem>>, vector<1x64x256xf32>
    %get3A_229 = vector.shape_cast %get3A_228 : vector<1x64x256xf32> to vector<64x256xf32>
    %dot_general3A_230 = arith.constant dense<0.000000e+00> : vector<256x256xf32>
    %dot_general3A_231 = tpu.matmul %concatenate3A_224, %get3A_229, %dot_general3A_230 {dimension_numbers = #tpu.dot_dimension_numbers<[1], [0], [0], [1], [0, 0, 1, 1], [], []>, transpose_lhs_hint = false} : vector<256x64xf32>, vector<64x256xf32>, vector<256x256xf32> -> vector<256x256xf32>
    %get3A_232 = arith.constant 4 : index
    %get3A_233 = arith.constant 0 : index
    %get3A_234 = vector.load %arg3[%get3A_232, %get3A_233] : memref<7x256xf32, #tpu.memory_space<vmem>>, vector<1x256xf32>
    %get3A_235 = vector.shape_cast %get3A_234 : vector<1x256xf32> to vector<256xf32>
    %broadcast_in_dim3A_236 = vector.shape_cast %get3A_235 : vector<256xf32> to vector<1x256xf32>
    %add3A_237 = vector.broadcast %broadcast_in_dim3A_236 : vector<1x256xf32> to vector<256x256xf32>
    %add3A_238 = arith.addf %dot_general3A_231, %add3A_237 : vector<256x256xf32>
    %slice3A_239 = vector.extract_strided_slice %add3A_238 {offsets = [0, 0], sizes = [256, 64], strides = [1, 1]} : vector<256x256xf32> to vector<256x64xf32>
    %slice3A_240 = vector.extract_strided_slice %add3A_238 {offsets = [0, 64], sizes = [256, 64], strides = [1, 1]} : vector<256x256xf32> to vector<256x64xf32>
    %slice3A_241 = vector.extract_strided_slice %add3A_238 {offsets = [0, 128], sizes = [256, 64], strides = [1, 1]} : vector<256x256xf32> to vector<256x64xf32>
    %slice3A_242 = vector.extract_strided_slice %add3A_238 {offsets = [0, 192], sizes = [256, 64], strides = [1, 1]} : vector<256x256xf32> to vector<256x64xf32>
    %concatenate3A_243 = tpu.concatenate %slice3A_239, %slice3A_240, %slice3A_241, %slice3A_242 in 0 : vector<256x64xf32>, vector<256x64xf32>, vector<256x64xf32>, vector<256x64xf32> -> vector<1024x64xf32>
    %get3A_244 = arith.constant 5 : index
    %get3A_245 = arith.constant 0 : index
    %get3A_246 = arith.constant 0 : index
    %get3A_247 = vector.load %arg2[%get3A_244, %get3A_245, %get3A_246] : memref<7x64x256xf32, #tpu.memory_space<vmem>>, vector<1x64x256xf32>
    %get3A_248 = vector.shape_cast %get3A_247 : vector<1x64x256xf32> to vector<64x256xf32>
    %dot_general3A_249 = arith.constant dense<0.000000e+00> : vector<1024x256xf32>
    %dot_general3A_250 = tpu.matmul %concatenate3A_243, %get3A_248, %dot_general3A_249 {dimension_numbers = #tpu.dot_dimension_numbers<[1], [0], [0], [1], [0, 0, 1, 1], [], []>, transpose_lhs_hint = false} : vector<1024x64xf32>, vector<64x256xf32>, vector<1024x256xf32> -> vector<1024x256xf32>
    %get3A_251 = arith.constant 5 : index
    %get3A_252 = arith.constant 0 : index
    %get3A_253 = vector.load %arg3[%get3A_251, %get3A_252] : memref<7x256xf32, #tpu.memory_space<vmem>>, vector<1x256xf32>
    %get3A_254 = vector.shape_cast %get3A_253 : vector<1x256xf32> to vector<256xf32>
    %broadcast_in_dim3A_255 = vector.shape_cast %get3A_254 : vector<256xf32> to vector<1x256xf32>
    %add3A_256 = vector.broadcast %broadcast_in_dim3A_255 : vector<1x256xf32> to vector<1024x256xf32>
    %add3A_257 = arith.addf %dot_general3A_250, %add3A_256 : vector<1024x256xf32>
    %slice3A_258 = vector.extract_strided_slice %add3A_257 {offsets = [0, 0], sizes = [1024, 64], strides = [1, 1]} : vector<1024x256xf32> to vector<1024x64xf32>
    %slice3A_259 = vector.extract_strided_slice %add3A_257 {offsets = [0, 64], sizes = [1024, 64], strides = [1, 1]} : vector<1024x256xf32> to vector<1024x64xf32>
    %slice3A_260 = vector.extract_strided_slice %add3A_257 {offsets = [0, 128], sizes = [1024, 64], strides = [1, 1]} : vector<1024x256xf32> to vector<1024x64xf32>
    %slice3A_261 = vector.extract_strided_slice %add3A_257 {offsets = [0, 192], sizes = [1024, 64], strides = [1, 1]} : vector<1024x256xf32> to vector<1024x64xf32>
    %concatenate3A_262 = tpu.concatenate %slice3A_258, %slice3A_259, %slice3A_260, %slice3A_261 in 0 : vector<1024x64xf32>, vector<1024x64xf32>, vector<1024x64xf32>, vector<1024x64xf32> -> vector<4096x64xf32>
    %get3A_263 = arith.constant 6 : index
    %get3A_264 = arith.constant 0 : index
    %get3A_265 = arith.constant 0 : index
    %get3A_266 = vector.load %arg2[%get3A_263, %get3A_264, %get3A_265] : memref<7x64x256xf32, #tpu.memory_space<vmem>>, vector<1x64x256xf32>
    %get3A_267 = vector.shape_cast %get3A_266 : vector<1x64x256xf32> to vector<64x256xf32>
    %dot_general3A_268 = arith.constant dense<0.000000e+00> : vector<4096x256xf32>
    %dot_general3A_269 = tpu.matmul %concatenate3A_262, %get3A_267, %dot_general3A_268 {dimension_numbers = #tpu.dot_dimension_numbers<[1], [0], [0], [1], [0, 0, 1, 1], [], []>, transpose_lhs_hint = false} : vector<4096x64xf32>, vector<64x256xf32>, vector<4096x256xf32> -> vector<4096x256xf32>
    %get3A_270 = arith.constant 6 : index
    %get3A_271 = arith.constant 0 : index
    %get3A_272 = vector.load %arg3[%get3A_270, %get3A_271] : memref<7x256xf32, #tpu.memory_space<vmem>>, vector<1x256xf32>
    %get3A_273 = vector.shape_cast %get3A_272 : vector<1x256xf32> to vector<256xf32>
    %broadcast_in_dim3A_274 = vector.shape_cast %get3A_273 : vector<256xf32> to vector<1x256xf32>
    %add3A_275 = vector.broadcast %broadcast_in_dim3A_274 : vector<1x256xf32> to vector<4096x256xf32>
    %add3A_276 = arith.addf %dot_general3A_269, %add3A_275 : vector<4096x256xf32>
    %slice3A_277 = vector.extract_strided_slice %add3A_276 {offsets = [0, 0], sizes = [4096, 128], strides = [1, 1]} : vector<4096x256xf32> to vector<4096x128xf32>
    %swap3A_278 = arith.constant 0 : index
    %swap3A_279 = arith.constant 0 : index
    %swap3A_280 = vector.load %arg4[%swap3A_278, %swap3A_279] : memref<8192x128xf32, #tpu.memory_space<vmem>>, vector<4096x128xf32>
    tpu.vector_store %arg4[%swap3A_278, %swap3A_279], %slice3A_277 {strides = array<i32>} : memref<8192x128xf32, #tpu.memory_space<vmem>>, vector<4096x128xf32>,
    %slice3A_281 = vector.extract_strided_slice %add3A_276 {offsets = [0, 128], sizes = [4096, 128], strides = [1, 1]} : vector<4096x256xf32> to vector<4096x128xf32>
    %swap3A_282 = arith.constant 4096 : index
    %swap3A_283 = arith.constant 0 : index
    %swap3A_284 = vector.load %arg4[%swap3A_282, %swap3A_283] : memref<8192x128xf32, #tpu.memory_space<vmem>>, vector<4096x128xf32>
    tpu.vector_store %arg4[%swap3A_282, %swap3A_283], %slice3A_281 {strides = array<i32>} : memref<8192x128xf32, #tpu.memory_space<vmem>>, vector<4096x128xf32>,
    return
  }
}

</mosaic_0001>

<sc_bundles>
// kernel: kernel.4.cloned.1.call-start
scs
__scs_entry_jumppad:
0x0: {  	(pc) =	sbr.rel $0x88, $3  }
0x1: {  	(tag) =	ssettag $0x0;
	lr =	simm.s32 $0x1  }
0x2: {  	[smem:$0x3F9D] =	sst lr;
	_ =	strace $0xD0000000  }
0x3: {  	_ = 	snop  }
0x4: {  	_ = 	snop  }
0x5: {  	_ = 	snop  }
0x6: {  	_ = 	snop  }
0x7: {  	_ = 	snop  }
__scs_overlays_trampoline_lowered:
0x8: {  	[smem:$0x3FAC] =	sst s0  }
0x9: {  	[smem:$0x3FAD] =	sst s1  }
0xa: {  	[smem:$0x3FAE] =	sst s2  }
0xb: {  	[smem:$0x3FAF] =	sst s3  }
0xc: {  	[smem:$0x3FB0] =	sst s4  }
0xd: {  	[smem:$0x3FB1] =	sst s5  }
0xe: {  	[smem:$0x3FB2] =	sst s6  }
0xf: {  	[smem:$0x3FB3] =	sst s7  }
0x10: {  	[smem:$0x3FB4] =	sst s8  }
0x11: {  	[smem:$0x3FB5] =	sst s9;
	s0 =	simm.s32 @!p0 $0x0  }
0x12: {  	s1 =	sld [smem:$0x3F9B];
	s0 =	simm.s32 @p0 $0x1  }
0x13: {  	[smem:$0x3FB6] =	sst s0;
	s0 =	simm.s32 @!p1 $0x0  }
0x14: {  	s2 =	sld [smem:$0x3F9A];
	s0 =	simm.s32 @p1 $0x1  }
0x15: {  	[smem:$0x3FB7] =	sst s0;
	s0 =	simm.s32 @!p2 $0x0  }
0x16: {  	s3 =	sld [smem:$0x3FDB];
	s0 =	simm.s32 @p2 $0x1  }
0x17: {  	s4 =	simm.s32 $0x1BF5;
	[smem:$0x3FB9] =	sst s0  }
0x18: {  	s0 =	sld [smem:$0x3F9C];
	_ =	swait.ge [sflag:s4], $0x0  }
0x19: {  	s7 =	sld [smem:$0x3F9D]  }
0x1a: {  	s8 =	sadd.s32 $0xFFFFE003, lr  }
0x1b: {  	s9 =	sadd.s32 $0xFFFFFEF7, lr;
	s5 =	simm.s32 $0xFFFFFFFF;
	p2 =	slt.u32 s8, $0xFFFFF086  }
0x1c: {  	p1 =	slt.u32 s9, $0xF7A;
	s5 =	simm.s32 @!p2 $0x0  }
0x1d: {  	s5 =	simm.s32 @p1 $0x1;
	p0 =	seq.s32 s7, s2  }
0x1e: {  	s7 =	smul.u32 @!p0 $0xF7A, s2;
	p2 =	seq.s32 @!p0 s5, $0x0  }
0x1f: {  	s9 =	smul.u32 $0xF7A, s1;
	s8 =	simm.s32 @!p0 $0x1BF5;
	p2 =	por !p2, p0  }
0x20: {  	[sflag:s8] =	ssyncset.s32 @!p0 $0xFFFFF086;
	s6 =	sadd.s32 @!p0 s3, s7;
	s7 =	simm.s32 @!p0 $0x108  }
0x21: {  	s3 =	sadd.s32 s3, s9;
	s6 =	sadd.s32 @!p0 $0x88, s6;
	s7 =	simm.s32 @p2 $0x1082  }
0x22: {  	[simem:s7], [sflag:s8] =	dma.local @!p0 [hbm:s6], $0xF7A  }
0x23: {  	s9 =	sor.u32 $0xD0000000, s2;
	s6 =	simm.s32 $0x108;
	_ =	swait.ge @!p0 [sflag:s8], $0x0  }
0x24: {  	s3 =	sadd.s32 $0x88, s3;
	s6 =	simm.s32 @!p1 $0x1082;
	[sflag:s4] =	ssyncset.s32 $0xFFFFF086  }
0x25: {  	[simem:s6], [sflag:s4] =	dma.local [hbm:s3], $0xF7A  }
0x26: {  	[smem:$0x3F9D] =	sst s1;
	(tag) =	ssettag s2;
	_ =	strace s9  }
0x27: {  	s1 =	sld [smem:$0x3FAD]  }
0x28: {  	s2 =	sld [smem:$0x3FAE]  }
0x29: {  	s4 =	sld [smem:$0x3FB0]  }
0x2a: {  	p0 =	seq.s32 s5, $0x0;
	s5 =	sld [smem:$0x3FB1]  }
0x2b: {  	s6 =	sld [smem:$0x3FB2]  }
0x2c: {  	s7 =	sld [smem:$0x3FB3]  }
0x2d: {  	s3 =	simm.s32 $0x108;
	s8 =	sld [smem:$0x3FB4]  }
0x2e: {  	s3 =	simm.s32 @!p0 $0x1082;
	s9 =	sld [smem:$0x3FB5]  }
0x2f: {  	lr =	sadd.s32 s0, s3;
	s0 =	sld [smem:$0x3FAC]  }
0x30: {  	s3 =	sld [smem:$0x3FAF]  }
0x31: {  	[smem:$0x3FB8] =	sst s10  }
0x32: {  	s10 =	sld [smem:$0x3FB6];
	_ =	sdelay $0x3  }
0x33: {  	p0 =	seq.s32 s10, $0x1;
	s10 =	sld [smem:$0x3FB8];
	_ =	sdelay $0x3  }
0x34: {  	[smem:$0x3FB8] =	sst s10  }
0x35: {  	s10 =	sld [smem:$0x3FB7];
	_ =	sdelay $0x3  }
0x36: {  	p1 =	seq.s32 s10, $0x1;
	s10 =	sld [smem:$0x3FB8];
	_ =	sdelay $0x3  }
0x37: {  	[smem:$0x3FB8] =	sst s10  }
0x38: {  	s10 =	sld [smem:$0x3FB9]  }
0x39: {  	_ = 	snop;
	(pc) =	sbr.ind lr, $3  }
0x3a: {  	_ = 	snop  }
0x3b: {  	_ = 	snop  }
0x3c: {  	p2 =	seq.s32 s10, $0x1;
	s10 =	sld [smem:$0x3FB8]  }
0x3d: {  	_ =	shalt  }
0x3e: {  	_ =	shalt  }
0x3f: {  	_ =	shalt  }
0x40: {  	_ =	shalt  }
0x41: {  	_ =	shalt  }
0x42: {  	_ =	shalt  }
0x43: {  	_ =	shalt  }
0x44: {  	_ =	shalt  }
0x45: {  	_ =	shalt  }
0x46: {  	_ =	shalt  }
0x47: {  	_ =	shalt  }
0x48: {  	_ =	shalt  }
0x49: {  	_ =	shalt  }
0x4a: {  	_ =	shalt  }
0x4b: {  	_ =	shalt  }
0x4c: {  	_ =	shalt  }
0x4d: {  	_ =	shalt  }
0x4e: {  	_ =	shalt  }
0x4f: {  	_ =	shalt  }
0x50: {  	_ =	shalt  }
0x51: {  	_ =	shalt  }
0x52: {  	_ =	shalt  }
0x53: {  	_ =	shalt  }
0x54: {  	_ =	shalt  }
0x55: {  	_ =	shalt  }
0x56: {  	_ =	shalt  }
0x57: {  	_ =	shalt  }
0x58: {  	_ =	shalt  }
0x59: {  	_ =	shalt  }
0x5a: {  	_ =	shalt  }
0x5b: {  	_ =	shalt  }
0x5c: {  	_ =	shalt  }
0x5d: {  	_ =	shalt  }
0x5e: {  	_ =	shalt  }
0x5f: {  	_ =	shalt  }
0x60: {  	_ =	shalt  }
0x61: {  	_ =	shalt  }
0x62: {  	_ =	shalt  }
0x63: {  	_ =	shalt  }
0x64: {  	_ =	shalt  }
0x65: {  	_ =	shalt  }
0x66: {  	_ =	shalt  }
0x67: {  	_ =	shalt  }
0x68: {  	_ =	shalt  }
0x69: {  	_ =	shalt  }
0x6a: {  	_ =	shalt  }
0x6b: {  	_ =	shalt  }
0x6c: {  	_ =	shalt  }
0x6d: {  	_ =	shalt  }
0x6e: {  	_ =	shalt  }
0x6f: {  	_ =	shalt  }
0x70: {  	_ =	shalt  }
0x71: {  	_ =	shalt  }
0x72: {  	_ =	shalt  }
0x73: {  	_ =	shalt  }
0x74: {  	_ =	shalt  }
0x75: {  	_ =	shalt  }
0x76: {  	_ =	shalt  }
0x77: {  	_ =	shalt  }
0x78: {  	_ =	shalt  }
0x79: {  	_ =	shalt  }
0x7a: {  	_ =	shalt  }
0x7b: {  	_ =	shalt  }
0x7c: {  	_ =	shalt  }
0x7d: {  	_ =	shalt  }
0x7e: {  	_ =	shalt  }
0x7f: {  	_ =	shalt  }
0x80: {  	_ =	shalt  }
0x81: {  	_ =	shalt  }
0x82: {  	_ =	shalt  }
0x83: {  	_ =	shalt  }
0x84: {  	_ =	shalt  }
0x85: {  	_ =	shalt  }
0x86: {  	_ =	shalt  }
0x87: {  	_ =	shalt  }
.Lfunc_end0:
.L_simem_size_0:
called_computation_lowered:
.L_overlay_start_0:
0x88: {  	s2 =	sld [smem:$0x3FD9]  }
0x89: {  	s3 =	sld [smem:$0x3FFE];
	_ =	sdelay $0x1  }
0x8a: {  	s1 =	srdreg.scid  }
0x8b: {  	s0 =	sand.u32 $0x1, s1  }
0x8c: {  	s17 =	sshll.u32 s0, $0xA;
	s2 =	sadd.s32 s3, s2  }
0x8d: {  	s2 =	sadd.s32 s2, s17  }
0x8e: {  	[smem:$0x3FC4] =	sst s2  }
0x8f: {  	_ = 	snop  }
0x90: {  	s2 =	sld [smem:$0x3FD0];
	(tm) =	ssettm $0x1  }
0x91: {  	s18 =	sld [smem:$0x3FFB];
	_ =	sdelay $0x3  }
0x92: {  	_ =	strace s18  }
0x93: {  	s3 =	sld [smem:$0x3FFC];
	_ =	sdelay $0x3  }
0x94: {  	_ =	strace s3  }
0x95: {  	s3 =	sld [smem:$0x3FFD];
	_ =	sdelay $0x3  }
0x96: {  	_ =	strace s3  }
0x97: {  	_ =	strace $0x8FFFFFFF  }
0x98: {  	s19 =	sld [smem:$0x3FDB];
	_ =	sdelay $0x1  }
0x99: {  	s4 =	simm.s32 $_scs_section_size  }
0x9a: {  	s5 =	simm.s32 $_size__tile_overlayer_lowered;
	s6 =	simm.s32 $_tile_overlayer_lowered  }
0x9b: {  	s22 =	simm.s32 $0x1BFF;
	s21 =	sshll.u32 s6, $0x1;
	s3 =	sadd.s32 s4, s19  }
0x9c: {  	s7 =	simm.s32 $0x0;
	s20 =	sshll.u32 s5, $0x1;
	s5 =	sadd.s32 s21, s3  }
0x9d: {  	[timem:s7], [sflag:s22] =	dma.local [hbm:s5], s20  }
0x9e: {  	_ =	swait.ge [sflag:s22], s20  }
0x9f: {  	s4 =	ssub.s32 $0x0, s20;
	[sflag:s22] =	ssyncset.done $0x0  }
0xa0: {  	[sflag:s22] =	ssyncadd.s32 s4;
	_ =	sdelay $0x1  }
0xa1: {  	s23 =	simm.s32 $0x1B8B  }
0xa2: {  	_ =	swait.ge [sflag:s23], $0x1  }
0xa3: {  	[sflag:s23] =	ssyncset.done $0x0  }
0xa4: {  	s25 =	simm.s32 $0x1B8E;
	s24 =	sld [smem:$0x3FFE];
	[sflag:s23] =	ssyncadd.s32 $0xFFFFFFFF  }
0xa5: {  	s26 =	simm.s32 $execute0_lowered;
	[smem:$0x3FD2] =	sst s25  }
0xa6: {  	s5 =	sshll.u32 s26, $0x1;
	_ =	strace $0x80000046;
	[dreg:$0x1] =	wrdreg $0xFFFFFFFF  }
0xa7: {  	s28 =	simm.s32 $_size_execute0_lowered;
	s3 =	sadd.s32 s3, s5;
	[dreg:$0x0] =	wrdreg $0x0  }
0xa8: {  	s5 =	sshll.u32 s28, $0x1;
	[dreg:$0x2] =	wrdreg s3  }
0xa9: {  	[dreg:$0x3] =	wrdreg s5  }
0xaa: {  	[dreg:$0x4] =	wrdreg $0xC0  }
0xab: {  	_ =	task [dreg:s7], $0x5FFFF  }
0xac: {  	[dreg:$0x1] =	wrdreg $0xFFFFFFFF  }
0xad: {  	[dreg:$0x0] =	wrdreg $0x60  }
0xae: {  	[dreg:$0x2] =	wrdreg s24  }
0xaf: {  	[dreg:$0x3] =	wrdreg s2  }
0xb0: {  	[dreg:$0x4] =	wrdreg $0x9  }
0xb1: {  	_ =	task.clear_ibuf [dreg:s7], $0x5FFFF;
	_ =	strace $0x90000046  }
0xb2: {  	s29 =	simm.s32 $0x9;
	_ =	strace $0x80000048  }
0xb3: {  	_ =	swait.ge [sflag:s29], $0x1  }
0xb4: {  	[sflag:s29] =	ssyncadd.s32 $0xFFFFFFFF  }
0xb5: {  	_ =	strace $0x90000048  }
0xb6: {  	_ =	sfence  }
0xb7: {  	s30 =	sld [smem:$0x0];
	_ =	sdelay $0x2  }
0xb8: {  	s31 =	sshll.u32 s1, $0xD;
	s1 =	sshrl.u32 s1, $0x2  }
0xb9: {  	s3 =	sand.u32 $0x4000, s31;
	s1 =	sadd.s32 s1, s30  }
0xba: {  	s0 =	sor.u32 s3, s0;
	s1 =	sshll.u32 s1, $0x11  }
0xbb: {  	s0 =	sor.u32 s1, s0  }
0xbc: {  	s0 =	sadd.s32 $0x8F2B, s0  }
0xbd: {  	[sflag:s0] =	ssyncadd.remote.s32 $0x1  }
0xbe: {  	_ =	sfence.sel $0xFFFF  }
0xbf: {  	[dreg:$0x0] =	wrdreg $0xFFFFFFFF;
	(pc) =	sbr.abs _section_cstart, $3  }
0xc0: {  	[dreg:$0x1] =	wrdreg $0xFFFFFFFF  }
0xc1: {  	_ =	task.clear_ibuf [dreg:s7], $0x2FFFF;
	_ =	strace $0x9FFFFFFF  }
0xc2: {  	(tm) =	ssettm $0x7FFFFFFF  }
0xc3: {  	_ =	shalt  }
tec
execute0_lowered:
.L_overlay_start_1:
0x0: {  	(tag) =	ssettag $0x1  }
0x1: {  	s1 =	srdreg.scid  }
0x2: {  	s0 =	stileid.u32;
	s6 =	sand.u32 $0x1, s1  }
0x3: {  	s5 =	rddreg [dreg:$0x0];
	s30 =	sshll.u32 s0, $0x8;
	s2 =	sshll.u32 s6, $0x7  }
0x4: {  	s8 =	rddreg [dreg:$0x1];
	s9 =	sor.u32 s2, s30  }
0x5: {  	s1 =	rddreg [dreg:$0x2];
	s2 =	simm.s32 $0x0;
	s3 =	sshrl.u32 s9, $0x3  }
0x6: {  	s10 =	ssub.s32 $0x2, s6;
	[smem:$0x7FF] =	sst s2;
	s3 =	sadd.s32 s3, s5  }
0x7: {  	_ =	strace $0x80000047;
	s4 =	sadd.s32 $0x21200, s3;
	s3 =	simm.s32 $0x2  }
0x8: {  	[tilespmem:s2], [sflag:$0x2] =	stream.linear.gather [hbm4b:s4+s2], $0x80, $0x38;
	[tilespmem:$0x2080] =	vst v63  }
0x9: {  	s7 =	simm.s32 $0x1;
	s11 =	sshrl.u32 s10, $0x1;
	_ =	swait.ge [sflag:s3], $0x80  }
0xa: {  	s6 =	simm.s32 $0x80;
	s10 =	ssub.s32 s10, s11;
	[sflag:s3] =	ssyncset.done $0x0  }
0xb: {  	s5 =	sadd.s32 $0x1200, s5;
	s31 =	smax.u32 s10, $0x1;
	[sflag:s3] =	ssyncadd.s32 $0xFFFFFF80  }
0xc: {  	[tilespmem:s6], [sflag:$0x1] =	stream.indirect.gather [hbm4b:s5+s6], $0x40, s2, s6, $0xb8;
	[tilespmem:$0x2080] =	vst v63  }
0xd: {  	p0 =	sne.s32 s31, $0x1;
	_ =	swait.ge [sflag:s7], $0x2000  }
.Ltmp0:
0xe: {  	s9 =	sshll.u32 s9, $0x3;
	[sflag:s7] =	ssyncset.done $0x0;
	(pc) =	sbr.rel @!p0 .LBB2_2-.Ltmp0, $4  }
0xf: {  	s8 =	sadd.s32 s8, s9;
	[sflag:s7] =	ssyncadd.s32 $0xFFFFE000  }
0x10: {  	[hbm4b:s8+s2] =	stream.linear.scatter [tilespmem:s6], [sflag:$0x2], $0x2000, $0x38;
	[tilespmem:$0x2080] =	vst v63  }
0x11: {  	_ =	swait.ge [sflag:s3], $0x2000  }
0x12: {  	s9 =	sadd.s32 $0xFFFFFFFF, s31;
	[sflag:s3] =	ssyncset.done $0x0  }
.LBB2_1:
0x13: {  	p0 =	sne.s32 s9, $0x1;
	s9 =	sadd.s32 $0xFFFFFFFF, s9;
	[sflag:s3] =	ssyncadd.s32 $0xFFFFE000  }
0x14: {  	[tilespmem:s2], [sflag:$0x2] =	stream.linear.gather [hbm4b:s4+s2], $0x80, $0x38;
	[tilespmem:$0x2080] =	vst v63  }
0x15: {  	_ =	swait.ge [sflag:s3], $0x80  }
0x16: {  	[sflag:s3] =	ssyncset.done $0x0  }
0x17: {  	[sflag:s3] =	ssyncadd.s32 $0xFFFFFF80  }
0x18: {  	[tilespmem:s6], [sflag:$0x1] =	stream.indirect.gather [hbm4b:s5+s6], $0x40, s2, s6, $0xb8;
	[tilespmem:$0x2080] =	vst v63  }
0x19: {  	_ =	swait.ge [sflag:s7], $0x2000  }
.Ltmp1:
0x1a: {  	[sflag:s7] =	ssyncset.done $0x0;
	(pc) =	sbr.rel @p0 .LBB2_1-.Ltmp1, $4  }
0x1b: {  	[sflag:s7] =	ssyncadd.s32 $0xFFFFE000  }
0x1c: {  	[hbm4b:s8+s2] =	stream.linear.scatter [tilespmem:s6], [sflag:$0x2], $0x2000, $0x38;
	[tilespmem:$0x2080] =	vst v63  }
0x1d: {  	_ =	swait.ge [sflag:s3], $0x2000  }
0x1e: {  	[sflag:s3] =	ssyncset.done $0x0  }
.LBB2_2:
0x1f: {  	[sflag:s3] =	ssyncadd.s32 $0xFFFFE000  }
0x20: {  	_ =	sfence.sel $0x180000  }
0x21: {  	[bflag:$0x0] =	sbarrier.arrive $0xFFFF  }
0x22: {  	p0 =	sne.s32 s0, $0x0;
	_ =	strace $0x90000047  }
0x23: {  	s0 =	sadd.s32 @!p0 $0x100000, s1;
	[bflag:$0x2] =	sbarrier.arrive $0xFFFF  }
0x24: {  	[sflag:s0] =	ssyncadd.tile.s32 @!p0 $0x1;
	_ =	shalt  }
.Lfunc_end2:
_tile_overlayer_lowered:
.L_overlay_start_2:
0x25: {  	(tag) =	ssettag $0x2  }
0x26: {  	s0 =	rddreg [dreg:$0x0];
	s2 =	stileid.u32  }
0x27: {  	s1 =	rddreg [dreg:$0x1];
	p0 =	sne.s32 s2, $0x0  }
0x28: {  	s3 =	rddreg [dreg:$0x2];
	[bflag:$0x3] =	sbarrier.arrive $0xFFFF;
	s2 =	simm.s32 @!p0 $0x1C02  }
0x29: {  	[timem:s3], [sflag:s2] =	dma.local @!p0 [hbm:s0], s1  }
0x2a: {  	s0 =	simm.s32 @!p0 $0x2  }
0x2b: {  	_ =	swait.ge @!p0 [sflag:s0], s1  }
0x2c: {  	s1 =	ssub.s32 @!p0 $0x0, s1;
	[sflag:s0] =	ssyncset.done @!p0 $0x0  }
0x2d: {  	[sflag:s0] =	ssyncadd.s32 @!p0 s1  }
0x2e: {  	[bflag:$0x3] =	sbarrier.arrive $0xFFFF  }
0x2f: {  	_ =	shalt  }

</sc_bundles>
